<compile_context>
chip_gen: v7x
topology: tpu7x:2x2x1
jax: 0.10.2.dev20260603
libtpu: 0.0.44.dev20260713+nightly
codegen_flags: <defaults>
</compile_context>

<pallas_src>
import functools

import jax
import jax.numpy as jnp
import numpy as np
from jax import lax
from jax.experimental import pallas as pl
from jax.experimental.pallas import tpu as pltpu
from jax.experimental.pallas import tpu_sc as plsc

_B = 4
_S = 8192
_D = 1024
_LANES = 16
_INT_MIN = np.int32(-2147483648)
_INT_MAX = np.int32(2147483647)


def _sc_pool(ids_hbm, lhs_hbm, pooled_hbm, ids_v, keys_v, row_v):
    wid = lax.axis_index("c") * 16 + lax.axis_index("s")

    @pl.when(wid < _B)
    def _():
        b = wid
        pltpu.sync_copy(ids_hbm.at[b], ids_v)
        revlane = jnp.int32(_S - 1) - lax.iota(jnp.int32, _LANES)

        def body(j, kmax):
            v = ids_v[pl.ds(j * _LANES, _LANES)]
            key = (v << 13) | (revlane - j * _LANES)
            return jnp.maximum(kmax, key)

        kmax = lax.fori_loop(
            0, _S // _LANES, body, jnp.full((_LANES,), _INT_MIN)
        )
        keys_v[...] = kmax
        kvec = keys_v[...]
        best = kvec[0]
        for i in range(1, _LANES):
            best = jnp.maximum(best, kvec[i])
        pos = jnp.int32(_S - 1) - (best & jnp.int32(_S - 1))
        pltpu.sync_copy(lhs_hbm.at[b, pl.ds(pos, 1)], row_v)
        pltpu.sync_copy(row_v, pooled_hbm.at[pl.ds(b, 1)])


_sc_pool_call = functools.partial(
    pl.kernel,
    out_type=jax.ShapeDtypeStruct((_B, _D), jnp.float32),
    mesh=plsc.VectorSubcoreMesh(core_axis_name="c", subcore_axis_name="s"),
    scratch_types=[
        pltpu.VMEM((_S,), jnp.int32),
        pltpu.VMEM((_LANES,), jnp.int32),
        pltpu.VMEM((1, _D), jnp.float32),
    ],
)(_sc_pool)


def _square_body(x_ref, o_ref):
    x = x_ref[...]
    o_ref[...] = x * x


def _square(x):
    rows = _B * _S
    block = 2048
    return pl.pallas_call(
        _square_body,
        out_shape=jax.ShapeDtypeStruct((rows, _D), jnp.float32),
        grid=(rows // block,),
        in_specs=[pl.BlockSpec((block, _D), lambda i: (i, 0))],
        out_specs=pl.BlockSpec((block, _D), lambda i: (i, 0)),
    )(x.reshape(rows, _D)).reshape(_B, _S, _D)


def kernel(last_hidden_state, input_ids):
    ids = input_ids.astype(jnp.int32)
    pooled = _sc_pool_call(ids, last_hidden_state)
    device_output = _square(last_hidden_state)
    return (pooled, device_output)

# --- scband reference (transcript-rebuilt; emitter-appended) ---
"""Pipeline reference for scband-forked-input-23227183137110 (READ-ONLY COPY).

The authoritative reference and input builder live on the scoring server;
editing this copy changes nothing except your own understanding.
"""

import jax, jax.numpy as jnp
import numpy as np


def setup_inputs(seed: int = 0) -> dict:
    key = jax.random.key(seed)
    k1, k2 = jax.random.split(key)
    last_hidden_state = jax.random.normal(k1, (4, 8192, 1024), dtype=jnp.float32)
    input_ids = jax.random.randint(k2, (4, 8192), 0, 50257, dtype=jnp.int64)
    return {"last_hidden_state": last_hidden_state, "input_ids": input_ids}


def reference(last_hidden_state, input_ids):
    B = last_hidden_state.shape[0]
    pos = jnp.argmax(input_ids, axis=-1)
    pooled_output = last_hidden_state[jnp.arange(B), pos]
    device_output = last_hidden_state * last_hidden_state
    return (pooled_output, device_output)

if __name__ == "__main__":
    import jax
    _d = setup_inputs()
    print(jax.jit(kernel)(*tuple(_d.values())))

</pallas_src>

<mosaic_0001>
#map = affine_map<(d0, d1) -> (0, 0)>
#map1 = affine_map<(d0, d1) -> (0, 0, 0)>
module attributes {stable_mosaic.version = 14 : i64} {
  func.func @_sc_pool(%arg0: i32, %arg1: i32, %arg2: memref<4x8192xi32, #tpu.memory_space<hbm>>, %arg3: memref<4x8192x1024xf32, #tpu.memory_space<hbm>>, %arg4: memref<4x1024xf32, #tpu.memory_space<hbm>>, %arg5: memref<8192xi32, #tpu.memory_space<vmem>>, %arg6: memref<16xi32, #tpu.memory_space<vmem>>, %arg7: memref<1x1024xf32, #tpu.memory_space<vmem>>) attributes {dimension_semantics = [#tpu.dimension_semantics<core_parallel>, #tpu.dimension_semantics<subcore_parallel>], iteration_bounds = array<i64: 2, 16>, scalar_prefetch = 0 : i64, scratch_operands = 3 : i64, tpu.core_type = #tpu.core_type<sc_vector_subcore>, window_params = [{transform_indices = #map}, {transform_indices = #map1}, {transform_indices = #map}]} {
    %mul3A = arith.constant 16 : i32
    %mul3A_0 = arith.muli %arg0, %mul3A : i32
    %add3A = arith.addi %mul3A_0, %arg1 : i32
    %lt3A = arith.constant 4 : i32
    %lt3A_1 = arith.cmpi slt, %add3A, %lt3A : i32
    %convert_element_type3A = arith.extui %lt3A_1 : i1 to i32
    %cond3A = arith.constant 0 : i32
    %cond3A_2 = arith.cmpi ne, %convert_element_type3A, %cond3A : i32
    scf.if %cond3A_2 {
      "tpu.region"() ({
        %run_scoped3A = tpu.sem_alloc : memref<!tpu.dma_semaphore, #tpu.memory_space<semaphore_mem>>
        %dma_start3A = arith.constant 0 : i32
        %dma_start3A_63 = tpu.memref_slice %arg2[%add3A, %dma_start3A] : memref<4x8192xi32, #tpu.memory_space<hbm>> -> memref<1x8192xi32, #tpu.memory_space<hbm>>
        %dma_start3A_64 = tpu.memref_squeeze %dma_start3A_63 : memref<1x8192xi32, #tpu.memory_space<hbm>> -> memref<8192xi32, #tpu.memory_space<hbm>>
        %dma_start3A_65 = arith.constant 0 : i32
        %dma_start3A_66 = tpu.memref_slice %arg2[%add3A, %dma_start3A_65] : memref<4x8192xi32, #tpu.memory_space<hbm>> -> memref<1x8192xi32, #tpu.memory_space<hbm>>
        %dma_start3A_67 = tpu.memref_squeeze %dma_start3A_66 : memref<1x8192xi32, #tpu.memory_space<hbm>> -> memref<8192xi32, #tpu.memory_space<hbm>>
        tpu.enqueue_dma source(%dma_start3A_67 : memref<8192xi32, #tpu.memory_space<hbm>>) target(%arg5 : memref<8192xi32, #tpu.memory_space<vmem>>) target_semaphore(%run_scoped3A : memref<!tpu.dma_semaphore, #tpu.memory_space<semaphore_mem>>)
        %dma_wait3A = arith.constant 0 : i32
        %dma_wait3A_68 = tpu.memref_slice %arg2[%add3A, %dma_wait3A] : memref<4x8192xi32, #tpu.memory_space<hbm>> -> memref<1x8192xi32, #tpu.memory_space<hbm>>
        %dma_wait3A_69 = tpu.memref_squeeze %dma_wait3A_68 : memref<1x8192xi32, #tpu.memory_space<hbm>> -> memref<8192xi32, #tpu.memory_space<hbm>>
        %dma_wait3A_70 = arith.constant 0 : i32
        %dma_wait3A_71 = tpu.memref_slice %arg2[%add3A, %dma_wait3A_70] : memref<4x8192xi32, #tpu.memory_space<hbm>> -> memref<1x8192xi32, #tpu.memory_space<hbm>>
        %dma_wait3A_72 = tpu.memref_squeeze %dma_wait3A_71 : memref<1x8192xi32, #tpu.memory_space<hbm>> -> memref<8192xi32, #tpu.memory_space<hbm>>
        tpu.wait_dma2 semaphore(%run_scoped3A : memref<!tpu.dma_semaphore, #tpu.memory_space<semaphore_mem>>) src(%dma_wait3A_72 : memref<8192xi32, #tpu.memory_space<hbm>>) dst(%arg5 : memref<8192xi32, #tpu.memory_space<vmem>>)
        tpu.yield
      }) : () -> ()
      %iota3A = tpu.iota {dimensions = array<i32: 0>} : vector<16xi32>
      %sub3A = arith.constant 8191 : i32
      %sub3A_3 = vector.broadcast %sub3A : i32 to vector<16xi32>
      %sub3A_4 = arith.subi %sub3A_3, %iota3A : vector<16xi32>
      %broadcast_in_dim3A = arith.constant -2147483648 : i32
      %broadcast_in_dim3A_5 = vector.broadcast %broadcast_in_dim3A : i32 to vector<16xi32>
      %scan3A = arith.constant 0 : i32
      %scan3A_6 = arith.constant 512 : i32
      %scan3A_7 = arith.addi %scan3A, %scan3A_6 : i32
      %scan3A_8 = arith.constant 1 : i32
      %scan3A_9 = scf.for %scan3A_63 = %scan3A to %scan3A_7 step %scan3A_8 iter_args(%scan3A_64 = %broadcast_in_dim3A_5) -> (vector<16xi32>)  : i32 {
        %mul3A_65 = arith.constant 16 : i32
        %mul3A_66 = arith.muli %scan3A_63, %mul3A_65 : i32
        %get3A_67 = arith.index_cast %mul3A_66 : i32 to index
        %get3A_68 = tpu.vector_load %arg5[%get3A_67] {strides = array<i32>} : memref<8192xi32, #tpu.memory_space<vmem>>, vector<16xi32>,
        %get3A_69 = vector.shape_cast %get3A_68 : vector<16xi32> to vector<16xi32>
        %shift_left3A = arith.constant 13 : i32
        %shift_left3A_70 = vector.broadcast %shift_left3A : i32 to vector<16xi32>
        %shift_left3A_71 = arith.shli %get3A_69, %shift_left3A_70 : vector<16xi32>
        %mul3A_72 = arith.constant 16 : i32
        %mul3A_73 = arith.muli %scan3A_63, %mul3A_72 : i32
        %sub3A_74 = vector.broadcast %mul3A_73 : i32 to vector<16xi32>
        %sub3A_75 = arith.subi %sub3A_4, %sub3A_74 : vector<16xi32>
        %or3A = arith.ori %shift_left3A_71, %sub3A_75 : vector<16xi32>
        %max3A_76 = arith.maxsi %scan3A_64, %or3A : vector<16xi32>
        scf.yield %max3A_76 : vector<16xi32>
      }
      %scan3A_10 = arith.constant 512 : i32
      %swap3A = arith.constant 0 : index
      %swap3A_11 = tpu.vector_load %arg6[%swap3A] {strides = array<i32>} : memref<16xi32, #tpu.memory_space<vmem>>, vector<16xi32>,
      %swap3A_12 = vector.shape_cast %swap3A_11 : vector<16xi32> to vector<16xi32>
      %swap3A_13 = vector.shape_cast %scan3A_9 : vector<16xi32> to vector<16xi32>
      tpu.vector_store %arg6[%swap3A], %swap3A_13 {strides = array<i32>} : memref<16xi32, #tpu.memory_space<vmem>>, vector<16xi32>,
      %get3A = arith.constant 0 : index
      %get3A_14 = tpu.vector_load %arg6[%get3A] {strides = array<i32>} : memref<16xi32, #tpu.memory_space<vmem>>, vector<16xi32>,
      %get3A_15 = vector.shape_cast %get3A_14 : vector<16xi32> to vector<16xi32>
      %slice3A = vector.extract_strided_slice %get3A_15 {offsets = [0], sizes = [1], strides = [1]} : vector<16xi32> to vector<1xi32>
      %squeeze3A = vector.extract %slice3A[0] : i32 from vector<1xi32>
      %slice3A_16 = vector.extract_strided_slice %get3A_15 {offsets = [1], sizes = [1], strides = [1]} : vector<16xi32> to vector<1xi32>
      %squeeze3A_17 = vector.extract %slice3A_16[0] : i32 from vector<1xi32>
      %max3A = arith.maxsi %squeeze3A, %squeeze3A_17 : i32
      %slice3A_18 = vector.extract_strided_slice %get3A_15 {offsets = [2], sizes = [1], strides = [1]} : vector<16xi32> to vector<1xi32>
      %squeeze3A_19 = vector.extract %slice3A_18[0] : i32 from vector<1xi32>
      %max3A_20 = arith.maxsi %max3A, %squeeze3A_19 : i32
      %slice3A_21 = vector.extract_strided_slice %get3A_15 {offsets = [3], sizes = [1], strides = [1]} : vector<16xi32> to vector<1xi32>
      %squeeze3A_22 = vector.extract %slice3A_21[0] : i32 from vector<1xi32>
      %max3A_23 = arith.maxsi %max3A_20, %squeeze3A_22 : i32
      %slice3A_24 = vector.extract_strided_slice %get3A_15 {offsets = [4], sizes = [1], strides = [1]} : vector<16xi32> to vector<1xi32>
      %squeeze3A_25 = vector.extract %slice3A_24[0] : i32 from vector<1xi32>
      %max3A_26 = arith.maxsi %max3A_23, %squeeze3A_25 : i32
      %slice3A_27 = vector.extract_strided_slice %get3A_15 {offsets = [5], sizes = [1], strides = [1]} : vector<16xi32> to vector<1xi32>
      %squeeze3A_28 = vector.extract %slice3A_27[0] : i32 from vector<1xi32>
      %max3A_29 = arith.maxsi %max3A_26, %squeeze3A_28 : i32
      %slice3A_30 = vector.extract_strided_slice %get3A_15 {offsets = [6], sizes = [1], strides = [1]} : vector<16xi32> to vector<1xi32>
      %squeeze3A_31 = vector.extract %slice3A_30[0] : i32 from vector<1xi32>
      %max3A_32 = arith.maxsi %max3A_29, %squeeze3A_31 : i32
      %slice3A_33 = vector.extract_strided_slice %get3A_15 {offsets = [7], sizes = [1], strides = [1]} : vector<16xi32> to vector<1xi32>
      %squeeze3A_34 = vector.extract %slice3A_33[0] : i32 from vector<1xi32>
      %max3A_35 = arith.maxsi %max3A_32, %squeeze3A_34 : i32
      %slice3A_36 = vector.extract_strided_slice %get3A_15 {offsets = [8], sizes = [1], strides = [1]} : vector<16xi32> to vector<1xi32>
      %squeeze3A_37 = vector.extract %slice3A_36[0] : i32 from vector<1xi32>
      %max3A_38 = arith.maxsi %max3A_35, %squeeze3A_37 : i32
      %slice3A_39 = vector.extract_strided_slice %get3A_15 {offsets = [9], sizes = [1], strides = [1]} : vector<16xi32> to vector<1xi32>
      %squeeze3A_40 = vector.extract %slice3A_39[0] : i32 from vector<1xi32>
      %max3A_41 = arith.maxsi %max3A_38, %squeeze3A_40 : i32
      %slice3A_42 = vector.extract_strided_slice %get3A_15 {offsets = [10], sizes = [1], strides = [1]} : vector<16xi32> to vector<1xi32>
      %squeeze3A_43 = vector.extract %slice3A_42[0] : i32 from vector<1xi32>
      %max3A_44 = arith.maxsi %max3A_41, %squeeze3A_43 : i32
      %slice3A_45 = vector.extract_strided_slice %get3A_15 {offsets = [11], sizes = [1], strides = [1]} : vector<16xi32> to vector<1xi32>
      %squeeze3A_46 = vector.extract %slice3A_45[0] : i32 from vector<1xi32>
      %max3A_47 = arith.maxsi %max3A_44, %squeeze3A_46 : i32
      %slice3A_48 = vector.extract_strided_slice %get3A_15 {offsets = [12], sizes = [1], strides = [1]} : vector<16xi32> to vector<1xi32>
      %squeeze3A_49 = vector.extract %slice3A_48[0] : i32 from vector<1xi32>
      %max3A_50 = arith.maxsi %max3A_47, %squeeze3A_49 : i32
      %slice3A_51 = vector.extract_strided_slice %get3A_15 {offsets = [13], sizes = [1], strides = [1]} : vector<16xi32> to vector<1xi32>
      %squeeze3A_52 = vector.extract %slice3A_51[0] : i32 from vector<1xi32>
      %max3A_53 = arith.maxsi %max3A_50, %squeeze3A_52 : i32
      %slice3A_54 = vector.extract_strided_slice %get3A_15 {offsets = [14], sizes = [1], strides = [1]} : vector<16xi32> to vector<1xi32>
      %squeeze3A_55 = vector.extract %slice3A_54[0] : i32 from vector<1xi32>
      %max3A_56 = arith.maxsi %max3A_53, %squeeze3A_55 : i32
      %slice3A_57 = vector.extract_strided_slice %get3A_15 {offsets = [15], sizes = [1], strides = [1]} : vector<16xi32> to vector<1xi32>
      %squeeze3A_58 = vector.extract %slice3A_57[0] : i32 from vector<1xi32>
      %max3A_59 = arith.maxsi %max3A_56, %squeeze3A_58 : i32
      %and3A = arith.constant 8191 : i32
      %and3A_60 = arith.andi %max3A_59, %and3A : i32
      %sub3A_61 = arith.constant 8191 : i32
      %sub3A_62 = arith.subi %sub3A_61, %and3A_60 : i32
      "tpu.region"() ({
        %run_scoped3A = tpu.sem_alloc : memref<!tpu.dma_semaphore, #tpu.memory_space<semaphore_mem>>
        %dma_start3A = arith.constant 0 : i32
        %dma_start3A_63 = tpu.memref_slice %arg3[%add3A, %sub3A_62, %dma_start3A] : memref<4x8192x1024xf32, #tpu.memory_space<hbm>> -> memref<1x1x1024xf32, #tpu.memory_space<hbm>>
        %dma_start3A_64 = tpu.memref_squeeze %dma_start3A_63 : memref<1x1x1024xf32, #tpu.memory_space<hbm>> -> memref<1x1024xf32, #tpu.memory_space<hbm>>
        %dma_start3A_65 = arith.constant 0 : i32
        %dma_start3A_66 = tpu.memref_slice %arg3[%add3A, %sub3A_62, %dma_start3A_65] : memref<4x8192x1024xf32, #tpu.memory_space<hbm>> -> memref<1x1x1024xf32, #tpu.memory_space<hbm>>
        %dma_start3A_67 = tpu.memref_squeeze %dma_start3A_66 : memref<1x1x1024xf32, #tpu.memory_space<hbm>> -> memref<1x1024xf32, #tpu.memory_space<hbm>>
        tpu.enqueue_dma source(%dma_start3A_67 : memref<1x1024xf32, #tpu.memory_space<hbm>>) target(%arg7 : memref<1x1024xf32, #tpu.memory_space<vmem>>) target_semaphore(%run_scoped3A : memref<!tpu.dma_semaphore, #tpu.memory_space<semaphore_mem>>)
        %dma_wait3A = arith.constant 0 : i32
        %dma_wait3A_68 = tpu.memref_slice %arg3[%add3A, %sub3A_62, %dma_wait3A] : memref<4x8192x1024xf32, #tpu.memory_space<hbm>> -> memref<1x1x1024xf32, #tpu.memory_space<hbm>>
        %dma_wait3A_69 = tpu.memref_squeeze %dma_wait3A_68 : memref<1x1x1024xf32, #tpu.memory_space<hbm>> -> memref<1x1024xf32, #tpu.memory_space<hbm>>
        %dma_wait3A_70 = arith.constant 0 : i32
        %dma_wait3A_71 = tpu.memref_slice %arg3[%add3A, %sub3A_62, %dma_wait3A_70] : memref<4x8192x1024xf32, #tpu.memory_space<hbm>> -> memref<1x1x1024xf32, #tpu.memory_space<hbm>>
        %dma_wait3A_72 = tpu.memref_squeeze %dma_wait3A_71 : memref<1x1x1024xf32, #tpu.memory_space<hbm>> -> memref<1x1024xf32, #tpu.memory_space<hbm>>
        tpu.wait_dma2 semaphore(%run_scoped3A : memref<!tpu.dma_semaphore, #tpu.memory_space<semaphore_mem>>) src(%dma_wait3A_72 : memref<1x1024xf32, #tpu.memory_space<hbm>>) dst(%arg7 : memref<1x1024xf32, #tpu.memory_space<vmem>>)
        tpu.yield
      }) : () -> ()
      "tpu.region"() ({
        %run_scoped3A = tpu.sem_alloc : memref<!tpu.dma_semaphore, #tpu.memory_space<semaphore_mem>>
        %dma_start3A = arith.constant 0 : i32
        %dma_start3A_63 = tpu.memref_slice %arg4[%add3A, %dma_start3A] : memref<4x1024xf32, #tpu.memory_space<hbm>> -> memref<1x1024xf32, #tpu.memory_space<hbm>>
        %dma_start3A_64 = arith.constant 0 : i32
        %dma_start3A_65 = tpu.memref_slice %arg4[%add3A, %dma_start3A_64] : memref<4x1024xf32, #tpu.memory_space<hbm>> -> memref<1x1024xf32, #tpu.memory_space<hbm>>
        tpu.enqueue_dma source(%arg7 : memref<1x1024xf32, #tpu.memory_space<vmem>>) target(%dma_start3A_65 : memref<1x1024xf32, #tpu.memory_space<hbm>>) target_semaphore(%run_scoped3A : memref<!tpu.dma_semaphore, #tpu.memory_space<semaphore_mem>>)
        %dma_wait3A = arith.constant 0 : i32
        %dma_wait3A_66 = tpu.memref_slice %arg4[%add3A, %dma_wait3A] : memref<4x1024xf32, #tpu.memory_space<hbm>> -> memref<1x1024xf32, #tpu.memory_space<hbm>>
        %dma_wait3A_67 = arith.constant 0 : i32
        %dma_wait3A_68 = tpu.memref_slice %arg4[%add3A, %dma_wait3A_67] : memref<4x1024xf32, #tpu.memory_space<hbm>> -> memref<1x1024xf32, #tpu.memory_space<hbm>>
        tpu.wait_dma2 semaphore(%run_scoped3A : memref<!tpu.dma_semaphore, #tpu.memory_space<semaphore_mem>>) src(%arg7 : memref<1x1024xf32, #tpu.memory_space<vmem>>) dst(%dma_wait3A_68 : memref<1x1024xf32, #tpu.memory_space<hbm>>)
        tpu.yield
      }) : () -> ()
    } else {
    }
    return
  }
}

module attributes {stable_mosaic.version = 14 : i64} {
  func.func @_square_body(%arg0: i32, %arg1: memref<2048x1024xf32, #tpu.memory_space<vmem>>, %arg2: memref<2048x1024xf32, #tpu.memory_space<vmem>>) attributes {dimension_semantics = [#tpu.dimension_semantics<arbitrary>], iteration_bounds = array<i64: 16>, scalar_prefetch = 0 : i64, scratch_operands = 0 : i64, tpu.core_type = #tpu.core_type<tc>, window_params = [{transform_indices = @transform_0, window_bounds = array<i64: 2048, 1024>}, {transform_indices = @transform_1, window_bounds = array<i64: 2048, 1024>}]} {
    %get3A = arith.constant 0 : index
    %get3A_0 = arith.constant 0 : index
    %get3A_1 = vector.load %arg1[%get3A, %get3A_0] : memref<2048x1024xf32, #tpu.memory_space<vmem>>, vector<2048x1024xf32>
    %mul3A = arith.mulf %get3A_1, %get3A_1 : vector<2048x1024xf32>
    %swap3A = arith.constant 0 : index
    %swap3A_2 = arith.constant 0 : index
    %swap3A_3 = vector.load %arg2[%swap3A, %swap3A_2] : memref<2048x1024xf32, #tpu.memory_space<vmem>>, vector<2048x1024xf32>
    tpu.vector_store %arg2[%swap3A, %swap3A_2], %mul3A {strides = array<i32>} : memref<2048x1024xf32, #tpu.memory_space<vmem>>, vector<2048x1024xf32>,
    return
  }
  func.func @transform_0(%arg0: i32) -> (i32, i32) {
    %c0_i32 = arith.constant 0 : i32
    %c0_i32_0 = arith.constant 0 : i32
    return %arg0, %c0_i32 : i32, i32
  }
  func.func @transform_1(%arg0: i32) -> (i32, i32) {
    %c0_i32 = arith.constant 0 : i32
    %c0_i32_0 = arith.constant 0 : i32
    return %arg0, %c0_i32 : i32, i32
  }
}

</mosaic_0001>

<sc_bundles>
// kernel: kernel.4.cloned.1.call-start
scs
__scs_entry_jumppad:
0x0: {  	(pc) =	sbr.rel $0x88, $3  }
0x1: {  	(tag) =	ssettag $0x0;
	lr =	simm.s32 $0x1  }
0x2: {  	[smem:$0x3F9F] =	sst lr;
	_ =	strace $0xD0000000  }
0x3: {  	_ = 	snop  }
0x4: {  	_ = 	snop  }
0x5: {  	_ = 	snop  }
0x6: {  	_ = 	snop  }
0x7: {  	_ = 	snop  }
__scs_overlays_trampoline_lowered:
0x8: {  	[smem:$0x3FAE] =	sst s0  }
0x9: {  	[smem:$0x3FAF] =	sst s1  }
0xa: {  	[smem:$0x3FB0] =	sst s2  }
0xb: {  	[smem:$0x3FB1] =	sst s3  }
0xc: {  	[smem:$0x3FB2] =	sst s4  }
0xd: {  	[smem:$0x3FB3] =	sst s5  }
0xe: {  	[smem:$0x3FB4] =	sst s6  }
0xf: {  	[smem:$0x3FB5] =	sst s7  }
0x10: {  	[smem:$0x3FB6] =	sst s8  }
0x11: {  	[smem:$0x3FB7] =	sst s9;
	s0 =	simm.s32 @!p0 $0x0  }
0x12: {  	s1 =	sld [smem:$0x3F9D];
	s0 =	simm.s32 @p0 $0x1  }
0x13: {  	[smem:$0x3FB8] =	sst s0;
	s0 =	simm.s32 @!p1 $0x0  }
0x14: {  	s2 =	sld [smem:$0x3F9C];
	s0 =	simm.s32 @p1 $0x1  }
0x15: {  	[smem:$0x3FB9] =	sst s0;
	s0 =	simm.s32 @!p2 $0x0  }
0x16: {  	s3 =	sld [smem:$0x3FDB];
	s0 =	simm.s32 @p2 $0x1  }
0x17: {  	s4 =	simm.s32 $0x1BF5;
	[smem:$0x3FBB] =	sst s0  }
0x18: {  	s0 =	sld [smem:$0x3F9E];
	_ =	swait.ge [sflag:s4], $0x0  }
0x19: {  	s7 =	sld [smem:$0x3F9F]  }
0x1a: {  	s8 =	sadd.s32 $0xFFFFE003, lr  }
0x1b: {  	s9 =	sadd.s32 $0xFFFFFEF7, lr;
	s5 =	simm.s32 $0xFFFFFFFF;
	p2 =	slt.u32 s8, $0xFFFFF086  }
0x1c: {  	p1 =	slt.u32 s9, $0xF7A;
	s5 =	simm.s32 @!p2 $0x0  }
0x1d: {  	s5 =	simm.s32 @p1 $0x1;
	p0 =	seq.s32 s7, s2  }
0x1e: {  	s7 =	smul.u32 @!p0 $0xF7A, s2;
	p2 =	seq.s32 @!p0 s5, $0x0  }
0x1f: {  	s9 =	smul.u32 $0xF7A, s1;
	s8 =	simm.s32 @!p0 $0x1BF5;
	p2 =	por !p2, p0  }
0x20: {  	[sflag:s8] =	ssyncset.s32 @!p0 $0xFFFFF086;
	s6 =	sadd.s32 @!p0 s3, s7;
	s7 =	simm.s32 @!p0 $0x108  }
0x21: {  	s3 =	sadd.s32 s3, s9;
	s6 =	sadd.s32 @!p0 $0x88, s6;
	s7 =	simm.s32 @p2 $0x1082  }
0x22: {  	[simem:s7], [sflag:s8] =	dma.local @!p0 [hbm:s6], $0xF7A  }
0x23: {  	s9 =	sor.u32 $0xD0000000, s2;
	s6 =	simm.s32 $0x108;
	_ =	swait.ge @!p0 [sflag:s8], $0x0  }
0x24: {  	s3 =	sadd.s32 $0x88, s3;
	s6 =	simm.s32 @!p1 $0x1082;
	[sflag:s4] =	ssyncset.s32 $0xFFFFF086  }
0x25: {  	[simem:s6], [sflag:s4] =	dma.local [hbm:s3], $0xF7A  }
0x26: {  	[smem:$0x3F9F] =	sst s1;
	(tag) =	ssettag s2;
	_ =	strace s9  }
0x27: {  	s1 =	sld [smem:$0x3FAF]  }
0x28: {  	s2 =	sld [smem:$0x3FB0]  }
0x29: {  	s4 =	sld [smem:$0x3FB2]  }
0x2a: {  	p0 =	seq.s32 s5, $0x0;
	s5 =	sld [smem:$0x3FB3]  }
0x2b: {  	s6 =	sld [smem:$0x3FB4]  }
0x2c: {  	s7 =	sld [smem:$0x3FB5]  }
0x2d: {  	s3 =	simm.s32 $0x108;
	s8 =	sld [smem:$0x3FB6]  }
0x2e: {  	s3 =	simm.s32 @!p0 $0x1082;
	s9 =	sld [smem:$0x3FB7]  }
0x2f: {  	lr =	sadd.s32 s0, s3;
	s0 =	sld [smem:$0x3FAE]  }
0x30: {  	s3 =	sld [smem:$0x3FB1]  }
0x31: {  	[smem:$0x3FBA] =	sst s10  }
0x32: {  	s10 =	sld [smem:$0x3FB8];
	_ =	sdelay $0x3  }
0x33: {  	p0 =	seq.s32 s10, $0x1;
	s10 =	sld [smem:$0x3FBA];
	_ =	sdelay $0x3  }
0x34: {  	[smem:$0x3FBA] =	sst s10  }
0x35: {  	s10 =	sld [smem:$0x3FB9];
	_ =	sdelay $0x3  }
0x36: {  	p1 =	seq.s32 s10, $0x1;
	s10 =	sld [smem:$0x3FBA];
	_ =	sdelay $0x3  }
0x37: {  	[smem:$0x3FBA] =	sst s10  }
0x38: {  	s10 =	sld [smem:$0x3FBB]  }
0x39: {  	_ = 	snop;
	(pc) =	sbr.ind lr, $3  }
0x3a: {  	_ = 	snop  }
0x3b: {  	_ = 	snop  }
0x3c: {  	p2 =	seq.s32 s10, $0x1;
	s10 =	sld [smem:$0x3FBA]  }
0x3d: {  	_ =	shalt  }
0x3e: {  	_ =	shalt  }
0x3f: {  	_ =	shalt  }
0x40: {  	_ =	shalt  }
0x41: {  	_ =	shalt  }
0x42: {  	_ =	shalt  }
0x43: {  	_ =	shalt  }
0x44: {  	_ =	shalt  }
0x45: {  	_ =	shalt  }
0x46: {  	_ =	shalt  }
0x47: {  	_ =	shalt  }
0x48: {  	_ =	shalt  }
0x49: {  	_ =	shalt  }
0x4a: {  	_ =	shalt  }
0x4b: {  	_ =	shalt  }
0x4c: {  	_ =	shalt  }
0x4d: {  	_ =	shalt  }
0x4e: {  	_ =	shalt  }
0x4f: {  	_ =	shalt  }
0x50: {  	_ =	shalt  }
0x51: {  	_ =	shalt  }
0x52: {  	_ =	shalt  }
0x53: {  	_ =	shalt  }
0x54: {  	_ =	shalt  }
0x55: {  	_ =	shalt  }
0x56: {  	_ =	shalt  }
0x57: {  	_ =	shalt  }
0x58: {  	_ =	shalt  }
0x59: {  	_ =	shalt  }
0x5a: {  	_ =	shalt  }
0x5b: {  	_ =	shalt  }
0x5c: {  	_ =	shalt  }
0x5d: {  	_ =	shalt  }
0x5e: {  	_ =	shalt  }
0x5f: {  	_ =	shalt  }
0x60: {  	_ =	shalt  }
0x61: {  	_ =	shalt  }
0x62: {  	_ =	shalt  }
0x63: {  	_ =	shalt  }
0x64: {  	_ =	shalt  }
0x65: {  	_ =	shalt  }
0x66: {  	_ =	shalt  }
0x67: {  	_ =	shalt  }
0x68: {  	_ =	shalt  }
0x69: {  	_ =	shalt  }
0x6a: {  	_ =	shalt  }
0x6b: {  	_ =	shalt  }
0x6c: {  	_ =	shalt  }
0x6d: {  	_ =	shalt  }
0x6e: {  	_ =	shalt  }
0x6f: {  	_ =	shalt  }
0x70: {  	_ =	shalt  }
0x71: {  	_ =	shalt  }
0x72: {  	_ =	shalt  }
0x73: {  	_ =	shalt  }
0x74: {  	_ =	shalt  }
0x75: {  	_ =	shalt  }
0x76: {  	_ =	shalt  }
0x77: {  	_ =	shalt  }
0x78: {  	_ =	shalt  }
0x79: {  	_ =	shalt  }
0x7a: {  	_ =	shalt  }
0x7b: {  	_ =	shalt  }
0x7c: {  	_ =	shalt  }
0x7d: {  	_ =	shalt  }
0x7e: {  	_ =	shalt  }
0x7f: {  	_ =	shalt  }
0x80: {  	_ =	shalt  }
0x81: {  	_ =	shalt  }
0x82: {  	_ =	shalt  }
0x83: {  	_ =	shalt  }
0x84: {  	_ =	shalt  }
0x85: {  	_ =	shalt  }
0x86: {  	_ =	shalt  }
0x87: {  	_ =	shalt  }
.Lfunc_end0:
.L_simem_size_0:
called_computation_lowered:
.L_overlay_start_0:
0x88: {  	s2 =	sld [smem:$0x3FD9]  }
0x89: {  	s3 =	sld [smem:$0x3FFE];
	_ =	sdelay $0x1  }
0x8a: {  	s1 =	srdreg.scid  }
0x8b: {  	s0 =	sand.u32 $0x1, s1  }
0x8c: {  	s15 =	sshll.u32 s0, $0xA;
	s2 =	sadd.s32 s3, s2  }
0x8d: {  	s2 =	sadd.s32 s2, s15  }
0x8e: {  	[smem:$0x3FC6] =	sst s2  }
0x8f: {  	_ = 	snop  }
0x90: {  	s2 =	sld [smem:$0x3FD0];
	_ =	sdelay $0x1  }
0x91: {  	s16 =	sld [smem:$0x3FC9]  }
0x92: {  	s5 =	simm.s32 $0xA;
	s6 =	simm.s32 $0x10;
	s4 =	sld [smem:$0x3FC8]  }
0x93: {  	[smem:s6], [sflag:s5] =	dma.local [hbm:s2], $0x1  }
0x94: {  	_ =	swait.eq [sflag:s5], $0x1  }
0x95: {  	[sflag:s5] =	ssyncset.done $0x0  }
0x96: {  	[sflag:s5] =	ssyncadd.s32 $0xFFFFFFFF  }
0x97: {  	s17 =	sld [smem:$0x10];
	(tm) =	ssettm $0x1  }
0x98: {  	s18 =	sld [smem:$0x3FFB];
	_ =	sdelay $0x3  }
0x99: {  	_ =	strace s18  }
0x9a: {  	s5 =	sld [smem:$0x3FFC];
	_ =	sdelay $0x3  }
0x9b: {  	_ =	strace s5  }
0x9c: {  	s5 =	sld [smem:$0x3FFD];
	_ =	sdelay $0x3  }
0x9d: {  	_ =	strace s5  }
0x9e: {  	_ =	strace $0x8FFFFFFF  }
0x9f: {  	s19 =	sld [smem:$0x3FDB];
	_ =	sdelay $0x1  }
0xa0: {  	s20 =	simm.s32 $_scs_section_size  }
0xa1: {  	s7 =	simm.s32 $_size__tile_overlayer_lowered;
	s8 =	simm.s32 $_tile_overlayer_lowered  }
0xa2: {  	s23 =	simm.s32 $0x1BFF;
	s22 =	sshll.u32 s8, $0x1;
	s5 =	sadd.s32 s20, s19  }
0xa3: {  	s9 =	simm.s32 $0x0;
	s21 =	sshll.u32 s7, $0x1;
	s7 =	sadd.s32 s22, s5  }
0xa4: {  	[timem:s9], [sflag:s23] =	dma.local [hbm:s7], s21  }
0xa5: {  	_ =	swait.ge [sflag:s23], s21  }
0xa6: {  	s6 =	ssub.s32 $0x0, s21;
	[sflag:s23] =	ssyncset.done $0x0  }
0xa7: {  	[sflag:s23] =	ssyncadd.s32 s6;
	_ =	sdelay $0x1  }
0xa8: {  	s24 =	simm.s32 $0x1B8B  }
0xa9: {  	_ =	swait.ge [sflag:s24], $0x1  }
0xaa: {  	[sflag:s24] =	ssyncset.done $0x0  }
0xab: {  	s25 =	simm.s32 $0x1B8E;
	[sflag:s24] =	ssyncadd.s32 $0xFFFFFFFF  }
0xac: {  	s26 =	simm.s32 $execute0_lowered;
	[smem:$0x3FD2] =	sst s25  }
0xad: {  	s6 =	sshll.u32 s26, $0x1;
	_ =	strace $0x80000046;
	[dreg:$0x1] =	wrdreg $0xFFFFFFFF  }
0xae: {  	s28 =	simm.s32 $_size_execute0_lowered;
	s5 =	sadd.s32 s5, s6;
	[dreg:$0x0] =	wrdreg $0x0  }
0xaf: {  	s6 =	sshll.u32 s28, $0x1;
	[dreg:$0x2] =	wrdreg s5  }
0xb0: {  	[dreg:$0x3] =	wrdreg s6  }
0xb1: {  	[dreg:$0x4] =	wrdreg $0xC0  }
0xb2: {  	_ =	task [dreg:s9], $0x5FFFF  }
0xb3: {  	[dreg:$0x1] =	wrdreg $0xFFFFFFFF  }
0xb4: {  	[dreg:$0x0] =	wrdreg $0x60  }
0xb5: {  	[dreg:$0x2] =	wrdreg s4  }
0xb6: {  	[dreg:$0x3] =	wrdreg s16  }
0xb7: {  	[dreg:$0x4] =	wrdreg s17  }
0xb8: {  	[dreg:$0x5] =	wrdreg $0x9  }
0xb9: {  	_ =	task.clear_ibuf [dreg:s9], $0x6FFFF;
	_ =	strace $0x90000046  }
0xba: {  	s29 =	simm.s32 $0x9;
	_ =	strace $0x80000048  }
0xbb: {  	_ =	swait.ge [sflag:s29], $0x1  }
0xbc: {  	[sflag:s29] =	ssyncadd.s32 $0xFFFFFFFF  }
0xbd: {  	_ =	strace $0x90000048  }
0xbe: {  	_ =	sfence  }
0xbf: {  	s30 =	sld [smem:$0x0];
	_ =	sdelay $0x2  }
0xc0: {  	s31 =	sshll.u32 s1, $0xD;
	s1 =	sshrl.u32 s1, $0x2  }
0xc1: {  	s3 =	sand.u32 $0x4000, s31;
	s1 =	sadd.s32 s1, s30  }
0xc2: {  	s0 =	sor.u32 s3, s0;
	s1 =	sshll.u32 s1, $0x11  }
0xc3: {  	s0 =	sor.u32 s1, s0  }
0xc4: {  	s0 =	sadd.s32 $0x8F2B, s0  }
0xc5: {  	[sflag:s0] =	ssyncadd.remote.s32 $0x1  }
0xc6: {  	_ =	sfence.sel $0xFFFF  }
0xc7: {  	[dreg:$0x0] =	wrdreg $0xFFFFFFFF;
	(pc) =	sbr.abs _section_cstart, $3  }
0xc8: {  	[dreg:$0x1] =	wrdreg $0xFFFFFFFF  }
0xc9: {  	_ =	task.clear_ibuf [dreg:s9], $0x2FFFF;
	_ =	strace $0x9FFFFFFF  }
0xca: {  	(tm) =	ssettm $0x7FFFFFFF  }
0xcb: {  	_ =	shalt  }
tec
execute0_lowered:
.L_overlay_start_1:
0x0: {  	(tag) =	ssettag $0x1  }
0x1: {  	s0 =	srdreg.scid  }
0x2: {  	s6 =	sand.u32 $0x1, s0  }
0x3: {  	s1 =	stileid.u32;
	s7 =	sshll.u32 s6, $0x4  }
0x4: {  	s7 =	sor.u32 s1, s7  }
0x5: {  	p0 =	sgt.u32 s7, $0x3  }
.Ltmp0:
0x6: {  	s5 =	rddreg [dreg:$0x0];
	(pc) =	sbr.rel @p0 .LBB2_5-.Ltmp0, $4  }
0x7: {  	s3 =	rddreg [dreg:$0x1]  }
0x8: {  	s4 =	rddreg [dreg:$0x2];
	s2 =	simm.s32 $0x0  }
0x9: {  	[smem:$0x7FF] =	sst s2  }
0xa: {  	s0 =	rddreg [dreg:$0x3];
	_ =	strace $0x80000047  }
0xb: {  	s7 =	sshll.u32 s1, $0x14;
	s6 =	ssub.s32 $0x2, s6  }
0xc: {  	s8 =	sshll.u32 s1, $0x4;
	v0 =	vlaneseq.u32;
	s9 =	simm.s32 $0x1;
	s10 =	simm.s32 $0x400  }
0xd: {  	s11 =	simm.s32 $0x2080;
	s3 =	sadd.s32 s3, s7;
	s31 =	sshrl.u32 s6, $0x1;
	v0 =	vmul.u32 $0xFFFFFFFF, v0  }
0xe: {  	s4 =	sadd.s32 s4, s8;
	s5 =	sadd.s32 s5, s8;
	s6 =	ssub.s32 s6, s31  }
0xf: {  	s7 =	simm.s32 $0x80;
	s8 =	simm.s32 $0x200;
	s6 =	smax.u32 s6, $0x1;
	v0 =	vadd.s32 $0x1FFF, v0  }
.LBB2_2:
0x10: {  	s13 =	simm.s32 $0x0  }
0x11: {  	[tilespmem:s13], [sflag:$0x1] =	stream.strided.gather [hbm4b:s5+s7], $0x2000, s8, s7, $0x38;
	[tilespmem:$0x2480] =	vst v63  }
0x12: {  	_ =	swait.ge [sflag:s9], $0x2000  }
0x13: {  	[sflag:s9] =	ssyncset.done $0x0  }
0x14: {  	[sflag:s9] =	ssyncadd.s32 $0xFFFFE000  }
0x15: {  	v2 =	vld [tilespmem:s13+$0x0];
	_ =	sdelay $0x4  }
0x16: {  	v1 =	vimm.s32 $0x80000000;
	s12 =	simm.s32 $0x10;
	v3 =	vmov s13;
	s13 =	simm.s32 $0x10;
	v2 =	vshll.u32 v2, $0xD  }
.LBB2_3:
0x17: {  	v4 =	vld [tilespmem:s13+$0x0];
	p0 =	sne.s32 s12, $0x1FF0;
	v2 =	vsub.s32 v2, v3;
	s14 =	smov.u32 s12;
	s12 =	sadd.s32 $0x10, s12  }
.Ltmp1:
0x18: {  	v2 =	vadd.s32 v0, v2;
	(pc) =	sbr.rel @p0 .LBB2_3-.Ltmp1, $3  }
0x19: {  	vm0 =	vgt.s32 v1, v2  }
0x1a: {  	v1 =	vsel vm0, v1, v2;
	_ =	sdelay $0x1  }
0x1b: {  	s13 =	sadd.s32 $0x10, s13;
	v3 =	vmov s14;
	v2 =	vshll.u32 v4, $0xD  }
0x1c: {  	v2 =	vsub.s32 v2, v3  }
0x1d: {  	v2 =	vadd.s32 v0, v2  }
0x1e: {  	vm0 =	vgt.s32 v1, v2  }
0x1f: {  	v1 =	vsel vm0, v1, v2  }
0x20: {  	(v2sf) =	vpush v1, $0x0  }
0x21: {  	(v2sf) =	vpush v1, $0x1;
	_ =	sdelay $0x1  }
0x22: {  	(v2sf) =	vpush v1, $0x2;
	_ =	sdelay $0x1  }
0x23: {  	(v2sf) =	vpush v1, $0x3;
	_ =	sdelay $0x1  }
0x24: {  	(v2sf) =	vpush v1, $0x4;
	_ =	sdelay $0x1  }
0x25: {  	(v2sf) =	vpush v1, $0x5;
	_ =	sdelay $0x1  }
0x26: {  	(v2sf) =	vpush v1, $0x6;
	_ =	sdelay $0x1  }
0x27: {  	(v2sf) =	vpush v1, $0x7;
	_ =	sdelay $0x1  }
0x28: {  	s12 =	spop (v2sf);
	(v2sf) =	vpush v1, $0x8  }
0x29: {  	s13 =	spop (v2sf)  }
0x2a: {  	(v2sf) =	vpush v1, $0x9;
	p0 =	sgt.s32 s12, s13  }
0x2b: {  	s13 =	smov.u32 @p0 s12;
	s12 =	spop (v2sf)  }
0x2c: {  	(v2sf) =	vpush v1, $0xA;
	p0 =	sgt.s32 s13, s12  }
0x2d: {  	s12 =	smov.u32 @p0 s13;
	s13 =	spop (v2sf)  }
0x2e: {  	(v2sf) =	vpush v1, $0xB;
	p0 =	sgt.s32 s12, s13  }
0x2f: {  	s13 =	smov.u32 @p0 s12;
	s12 =	spop (v2sf)  }
0x30: {  	(v2sf) =	vpush v1, $0xC;
	p0 =	sgt.s32 s13, s12  }
0x31: {  	s12 =	smov.u32 @p0 s13;
	s13 =	spop (v2sf)  }
0x32: {  	(v2sf) =	vpush v1, $0xD;
	p0 =	sgt.s32 s12, s13  }
0x33: {  	s13 =	smov.u32 @p0 s12;
	s12 =	spop (v2sf)  }
0x34: {  	(v2sf) =	vpush v1, $0xE;
	p0 =	sgt.s32 s13, s12  }
0x35: {  	s12 =	smov.u32 @p0 s13;
	s13 =	spop (v2sf)  }
0x36: {  	(v2sf) =	vpush v1, $0xF;
	p0 =	sgt.s32 s12, s13  }
0x37: {  	s13 =	smov.u32 @p0 s12;
	s12 =	spop (v2sf)  }
0x38: {  	p0 =	sgt.s32 s13, s12  }
0x39: {  	s12 =	smov.u32 @p0 s13;
	s13 =	spop (v2sf)  }
0x3a: {  	p0 =	sgt.s32 s12, s13  }
0x3b: {  	s13 =	smov.u32 @p0 s12;
	s12 =	spop (v2sf)  }
0x3c: {  	p0 =	sgt.s32 s13, s12  }
0x3d: {  	s12 =	smov.u32 @p0 s13;
	s13 =	spop (v2sf)  }
0x3e: {  	p0 =	sgt.s32 s12, s13  }
0x3f: {  	s13 =	smov.u32 @p0 s12;
	s12 =	spop (v2sf)  }
0x40: {  	p0 =	sgt.s32 s13, s12  }
0x41: {  	s12 =	smov.u32 @p0 s13;
	s13 =	spop (v2sf)  }
0x42: {  	p0 =	sgt.s32 s12, s13  }
0x43: {  	s13 =	smov.u32 @p0 s12;
	s12 =	spop (v2sf)  }
0x44: {  	p0 =	sgt.s32 s13, s12  }
0x45: {  	s12 =	smov.u32 @p0 s13;
	s13 =	spop (v2sf)  }
0x46: {  	p0 =	sgt.s32 s12, s13  }
0x47: {  	s13 =	smov.u32 @p0 s12  }
0x48: {  	s12 =	sxor.u32 $0xFFFFFFFF, s13  }
0x49: {  	s13 =	sshll.u32 s12, $0x7  }
0x4a: {  	s12 =	sshll.u32 s12, $0x4;
	s13 =	sand.u32 $0xFFC00, s13  }
0x4b: {  	s12 =	sand.u32 $0x70, s12;
	s13 =	sadd.s32 s13, s3  }
0x4c: {  	[tilespmem:$0x2000] =	vst v1;
	s12 =	sadd.s32 s12, s13  }
0x4d: {  	[tilespmem:s11], [sflag:$0x1] =	stream.strided.gather [hbm4b:s12+s7], $0x400, s10, s7, $0x38;
	[tilespmem:$0x2480] =	vst v63  }
0x4e: {  	s2 =	sadd.s32 $0x1, s2;
	_ =	swait.ge [sflag:s9], $0x400  }
0x4f: {  	p0 =	sne.s32 s2, s6;
	[sflag:s9] =	ssyncset.done $0x0  }
.Ltmp2:
0x50: {  	[sflag:s9] =	ssyncadd.s32 $0xFFFFFC00;
	(pc) =	sbr.rel @p0 .LBB2_2-.Ltmp2, $4  }
0x51: {  	[hbm4b:s4+s7] =	stream.strided.scatter [tilespmem:s11], [sflag:$0x1], $0x400, s8, s7, $0x38;
	[tilespmem:$0x2480] =	vst v63  }
0x52: {  	_ =	swait.ge [sflag:s9], $0x400  }
0x53: {  	[sflag:s9] =	ssyncset.done $0x0  }
0x54: {  	[sflag:s9] =	ssyncadd.s32 $0xFFFFFC00  }
.LBB2_5:
0x55: {  	_ =	sfence.sel $0x180000  }
0x56: {  	[bflag:$0x0] =	sbarrier.arrive $0xFFFF  }
0x57: {  	p0 =	sne.s32 s1, $0x0;
	_ =	strace $0x90000047  }
0x58: {  	s0 =	sadd.s32 @!p0 $0x100000, s0;
	[bflag:$0x2] =	sbarrier.arrive $0xFFFF  }
0x59: {  	[sflag:s0] =	ssyncadd.tile.s32 @!p0 $0x1;
	_ =	shalt  }
.Lfunc_end2:
_tile_overlayer_lowered:
.L_overlay_start_2:
0x5a: {  	(tag) =	ssettag $0x2  }
0x5b: {  	s0 =	rddreg [dreg:$0x0];
	s2 =	stileid.u32  }
0x5c: {  	s1 =	rddreg [dreg:$0x1];
	p0 =	sne.s32 s2, $0x0  }
0x5d: {  	s3 =	rddreg [dreg:$0x2];
	[bflag:$0x3] =	sbarrier.arrive $0xFFFF;
	s2 =	simm.s32 @!p0 $0x1C01  }
0x5e: {  	[timem:s3], [sflag:s2] =	dma.local @!p0 [hbm:s0], s1  }
0x5f: {  	s0 =	simm.s32 @!p0 $0x1  }
0x60: {  	_ =	swait.ge @!p0 [sflag:s0], s1  }
0x61: {  	s1 =	ssub.s32 @!p0 $0x0, s1;
	[sflag:s0] =	ssyncset.done @!p0 $0x0  }
0x62: {  	[sflag:s0] =	ssyncadd.s32 @!p0 s1  }
0x63: {  	[bflag:$0x3] =	sbarrier.arrive $0xFFFF  }
0x64: {  	_ =	shalt  }

</sc_bundles>
